<compile_context>
chip_gen: v7x
topology: tpu7x:2x2x1
jax: 0.10.2.dev20260603
libtpu: 0.0.44.dev20260713+nightly
codegen_flags: <defaults>
</compile_context>

<pallas_src>
import functools

import jax
import jax.numpy as jnp
from jax import lax
from jax.experimental import pallas as pl
from jax.experimental.pallas import tpu as pltpu
from jax.experimental.pallas import tpu_sc as plsc

NUM_POINTS = 4096
DIMS = 64
BATCH = 64
NW = 32
PER_W = BATCH // NW


def _sc_gather_rows(input_index, graph_distances):
    mesh = plsc.VectorSubcoreMesh(core_axis_name="c", subcore_axis_name="s")

    @functools.partial(
        pl.kernel,
        out_type=jax.ShapeDtypeStruct((BATCH, NUM_POINTS), jnp.float32),
        mesh=mesh,
        scratch_types=[
            pltpu.VMEM((PER_W,), jnp.int32),
            pltpu.VMEM((PER_W, NUM_POINTS), jnp.float32),
            pltpu.SemaphoreType.DMA,
        ],
    )
    def sc_kernel(idx_hbm, graph_hbm, g_out, idx_v, g_v, sem_g):
        wid = lax.axis_index("s") * 2 + lax.axis_index("c")
        pltpu.sync_copy(idx_hbm.at[wid], idx_v)
        pltpu.async_copy(graph_hbm.at[idx_v], g_v, sem_g).wait()
        pltpu.sync_copy(g_v, g_out.at[pl.ds(wid * PER_W, PER_W)])

    return sc_kernel(input_index.reshape(NW, PER_W), graph_distances)


def _tc_body(idx_ref, emb_ref, g_ref, out_ref):
    emb = emb_ref[:, :]
    g = g_ref[:, :]
    idx_row = idx_ref[:].reshape(1, BATCH)
    rows = lax.broadcasted_iota(jnp.int32, (NUM_POINTS, BATCH), 0)
    oh = jnp.where(rows == idx_row, 1.0, 0.0)
    src = lax.dot_general(oh, emb, (((0,), (0,)), ((), ())),
                          preferred_element_type=jnp.float32)
    thr = jnp.transpose(idx_row)
    ones_row = jnp.ones((8, DIMS), jnp.float32)
    n_b = lax.dot_general(ones_row, emb * emb, (((1,), (1,)), ((), ())),
                          preferred_element_type=jnp.float32)[:1, :]
    n_s = jnp.sum(src * src, axis=1, keepdims=True)
    s_dot_e = lax.dot_general(src, emb, (((1,), (1,)), ((), ())),
                              preferred_element_type=jnp.float32)
    d2 = n_s + n_b - 2.0 * s_dot_e
    term = jnp.abs(d2 / (g * g) - 1.0)
    cols = lax.broadcasted_iota(jnp.int32, (BATCH, NUM_POINTS), 1)
    mask = cols > thr
    out_ref[0, 0] = jnp.sum(jnp.where(mask, term, 0.0))


def kernel(input_index, embeds, graph_distances):
    g_rows = _sc_gather_rows(input_index, graph_distances)
    out = pl.pallas_call(
        _tc_body,
        out_shape=jax.ShapeDtypeStruct((1, 1), jnp.float32),
        in_specs=[
            pl.BlockSpec(memory_space=pltpu.VMEM),
            pl.BlockSpec(memory_space=pltpu.VMEM),
            pl.BlockSpec(memory_space=pltpu.VMEM),
        ],
        out_specs=pl.BlockSpec(memory_space=pltpu.SMEM),
    )(input_index, embeds, g_rows)
    return out[0, 0]

# --- scband reference (transcript-rebuilt; emitter-appended) ---
"""Pipeline reference for scband-model-41558103556402 (READ-ONLY COPY).

The authoritative reference and input builder live on the scoring server;
editing this copy changes nothing except your own understanding.
"""

import jax, jax.numpy as jnp
import numpy as np

NUM_POINTS = 4096
DIMS = 64
INIT_EPS = 0.001


def setup_inputs(seed: int = 0) -> dict:
    key = jax.random.key(seed)
    k1, k2, k3 = jax.random.split(key, 3)
    input_index = jax.random.randint(k1, (64,), 0, NUM_POINTS, dtype=jnp.int32)
    # EuclideanEmbeddings parameter, init uniform(-INIT_EPS, INIT_EPS)
    embeds = jax.random.uniform(k2, (NUM_POINTS, DIMS), minval=-INIT_EPS, maxval=INIT_EPS, dtype=jnp.float32)
    # graph_distances: dense n x n positive distance matrix (constant buffer)
    graph_distances = jax.random.uniform(k3, (NUM_POINTS, NUM_POINTS), minval=0.1, maxval=10.0, dtype=jnp.float32)
    return {"input_index": input_index, "embeds": embeds, "graph_distances": graph_distances}


def _get_src_and_dst_from_seq(input_index, n):
    # Faithful port of Model.get_src_and_dst_from_seq: for each id_a in the batch,
    # pair it with every point id_b > id_a. Dense fixed-shape formulation: pair
    # each id_a with all n candidates and mask to id_b > id_a.
    b = input_index.shape[0]
    all_ids = jnp.arange(n, dtype=jnp.int32)
    src = jnp.broadcast_to(input_index[:, None], (b, n))
    dst = jnp.broadcast_to(all_ids[None, :], (b, n))
    mask = dst > src
    return src, dst, mask


def reference(input_index, embeds, graph_distances):
    n = embeds.shape[0]
    src, dst, mask = _get_src_and_dst_from_seq(input_index, n)
    # self.distance(src, dst): Euclidean manifold dist = ||x - y||_2 over last dim
    src_embeds = jnp.take(embeds, src, axis=0)
    dst_embeds = jnp.take(embeds, dst, axis=0)
    manifold_distances = jnp.linalg.norm(src_embeds - dst_embeds, axis=-1)
    graph_dists = graph_distances[src, dst]
    loss = jnp.power(manifold_distances / graph_dists, 2)
    loss = jnp.abs(loss - 1.0)
    loss = jnp.sum(jnp.where(mask, loss, jnp.zeros_like(loss)))
    return loss

if __name__ == "__main__":
    import jax
    _d = setup_inputs()
    print(jax.jit(kernel)(*tuple(_d.values())))

</pallas_src>

<mosaic_0001>
#map = affine_map<(d0, d1) -> (0, 0)>
module attributes {stable_mosaic.version = 14 : i64} {
  func.func @sc_kernel(%arg0: i32, %arg1: i32, %arg2: memref<32x2xi32, #tpu.memory_space<hbm>>, %arg3: memref<4096x4096xf32, #tpu.memory_space<hbm>>, %arg4: memref<64x4096xf32, #tpu.memory_space<hbm>>, %arg5: memref<2xi32, #tpu.memory_space<vmem>>, %arg6: memref<2x4096xf32, #tpu.memory_space<vmem>>, %arg7: memref<!tpu.dma_semaphore, #tpu.memory_space<semaphore_mem>>) attributes {dimension_semantics = [#tpu.dimension_semantics<core_parallel>, #tpu.dimension_semantics<subcore_parallel>], iteration_bounds = array<i64: 2, 16>, scalar_prefetch = 0 : i64, scratch_operands = 3 : i64, tpu.core_type = #tpu.core_type<sc_vector_subcore>, window_params = [{transform_indices = #map}, {transform_indices = #map}, {transform_indices = #map}]} {
    %mul3A = arith.constant 2 : i32
    %mul3A_0 = arith.muli %arg1, %mul3A : i32
    %add3A = arith.addi %mul3A_0, %arg0 : i32
    "tpu.region"() ({
      %run_scoped3A = tpu.sem_alloc : memref<!tpu.dma_semaphore, #tpu.memory_space<semaphore_mem>>
      %dma_start3A_7 = arith.constant 0 : i32
      %dma_start3A_8 = tpu.memref_slice %arg2[%add3A, %dma_start3A_7] : memref<32x2xi32, #tpu.memory_space<hbm>> -> memref<1x2xi32, #tpu.memory_space<hbm>>
      %dma_start3A_9 = tpu.memref_squeeze %dma_start3A_8 : memref<1x2xi32, #tpu.memory_space<hbm>> -> memref<2xi32, #tpu.memory_space<hbm>>
      %dma_start3A_10 = arith.constant 0 : i32
      %dma_start3A_11 = tpu.memref_slice %arg2[%add3A, %dma_start3A_10] : memref<32x2xi32, #tpu.memory_space<hbm>> -> memref<1x2xi32, #tpu.memory_space<hbm>>
      %dma_start3A_12 = tpu.memref_squeeze %dma_start3A_11 : memref<1x2xi32, #tpu.memory_space<hbm>> -> memref<2xi32, #tpu.memory_space<hbm>>
      tpu.enqueue_dma source(%dma_start3A_12 : memref<2xi32, #tpu.memory_space<hbm>>) target(%arg5 : memref<2xi32, #tpu.memory_space<vmem>>) target_semaphore(%run_scoped3A : memref<!tpu.dma_semaphore, #tpu.memory_space<semaphore_mem>>)
      %dma_wait3A_13 = arith.constant 0 : i32
      %dma_wait3A_14 = tpu.memref_slice %arg2[%add3A, %dma_wait3A_13] : memref<32x2xi32, #tpu.memory_space<hbm>> -> memref<1x2xi32, #tpu.memory_space<hbm>>
      %dma_wait3A_15 = tpu.memref_squeeze %dma_wait3A_14 : memref<1x2xi32, #tpu.memory_space<hbm>> -> memref<2xi32, #tpu.memory_space<hbm>>
      %dma_wait3A_16 = arith.constant 0 : i32
      %dma_wait3A_17 = tpu.memref_slice %arg2[%add3A, %dma_wait3A_16] : memref<32x2xi32, #tpu.memory_space<hbm>> -> memref<1x2xi32, #tpu.memory_space<hbm>>
      %dma_wait3A_18 = tpu.memref_squeeze %dma_wait3A_17 : memref<1x2xi32, #tpu.memory_space<hbm>> -> memref<2xi32, #tpu.memory_space<hbm>>
      tpu.wait_dma2 semaphore(%run_scoped3A : memref<!tpu.dma_semaphore, #tpu.memory_space<semaphore_mem>>) src(%dma_wait3A_18 : memref<2xi32, #tpu.memory_space<hbm>>) dst(%arg5 : memref<2xi32, #tpu.memory_space<vmem>>)
      tpu.yield
    }) : () -> ()
    %dma_start3A = arith.constant 0 : i32
    %dma_start3A_1 = arith.constant 0 : i32
    %dma_start3A_2 = tpu.memref_slice %arg3[%dma_start3A, %dma_start3A_1] : memref<4096x4096xf32, #tpu.memory_space<hbm>> -> memref<4096x4096xf32, #tpu.memory_space<hbm>>
    tpu.enqueue_indirect_dma source(%dma_start3A_2 : memref<4096x4096xf32, #tpu.memory_space<hbm>>) target(%arg6 : memref<2x4096xf32, #tpu.memory_space<vmem>>) offsets(%arg5 : memref<2xi32, #tpu.memory_space<vmem>>) semaphore(%arg7 : memref<!tpu.dma_semaphore, #tpu.memory_space<semaphore_mem>>)
    %dma_wait3A = arith.constant 0 : i32
    %dma_wait3A_3 = arith.constant 0 : i32
    %dma_wait3A_4 = tpu.memref_slice %arg3[%dma_wait3A, %dma_wait3A_3] : memref<4096x4096xf32, #tpu.memory_space<hbm>> -> memref<4096x4096xf32, #tpu.memory_space<hbm>>
    tpu.wait_indirect_dma semaphore(%arg7 : memref<!tpu.dma_semaphore, #tpu.memory_space<semaphore_mem>>) src(%dma_wait3A_4 : memref<4096x4096xf32, #tpu.memory_space<hbm>>) dst(%arg6 : memref<2x4096xf32, #tpu.memory_space<vmem>>)
    %mul3A_5 = arith.constant 2 : i32
    %mul3A_6 = arith.muli %add3A, %mul3A_5 : i32
    "tpu.region"() ({
      %run_scoped3A = tpu.sem_alloc : memref<!tpu.dma_semaphore, #tpu.memory_space<semaphore_mem>>
      %dma_start3A_7 = arith.constant 0 : i32
      %dma_start3A_8 = tpu.memref_slice %arg4[%mul3A_6, %dma_start3A_7] : memref<64x4096xf32, #tpu.memory_space<hbm>> -> memref<2x4096xf32, #tpu.memory_space<hbm>>
      %dma_start3A_9 = arith.constant 0 : i32
      %dma_start3A_10 = tpu.memref_slice %arg4[%mul3A_6, %dma_start3A_9] : memref<64x4096xf32, #tpu.memory_space<hbm>> -> memref<2x4096xf32, #tpu.memory_space<hbm>>
      tpu.enqueue_dma source(%arg6 : memref<2x4096xf32, #tpu.memory_space<vmem>>) target(%dma_start3A_10 : memref<2x4096xf32, #tpu.memory_space<hbm>>) target_semaphore(%run_scoped3A : memref<!tpu.dma_semaphore, #tpu.memory_space<semaphore_mem>>)
      %dma_wait3A_11 = arith.constant 0 : i32
      %dma_wait3A_12 = tpu.memref_slice %arg4[%mul3A_6, %dma_wait3A_11] : memref<64x4096xf32, #tpu.memory_space<hbm>> -> memref<2x4096xf32, #tpu.memory_space<hbm>>
      %dma_wait3A_13 = arith.constant 0 : i32
      %dma_wait3A_14 = tpu.memref_slice %arg4[%mul3A_6, %dma_wait3A_13] : memref<64x4096xf32, #tpu.memory_space<hbm>> -> memref<2x4096xf32, #tpu.memory_space<hbm>>
      tpu.wait_dma2 semaphore(%run_scoped3A : memref<!tpu.dma_semaphore, #tpu.memory_space<semaphore_mem>>) src(%arg6 : memref<2x4096xf32, #tpu.memory_space<vmem>>) dst(%dma_wait3A_14 : memref<2x4096xf32, #tpu.memory_space<hbm>>)
      tpu.yield
    }) : () -> ()
    return
  }
}

module attributes {stable_mosaic.version = 14 : i64} {
  func.func @_tc_body(%arg0: memref<64xi32, #tpu.memory_space<vmem>>, %arg1: memref<4096x64xf32, #tpu.memory_space<vmem>>, %arg2: memref<64x4096xf32, #tpu.memory_space<vmem>>, %arg3: memref<1x1xf32, #tpu.memory_space<smem>>) attributes {dimension_semantics = [], scalar_prefetch = 0 : i64, scratch_operands = 0 : i64, tpu.core_type = #tpu.core_type<tc>} {
    %get3A = arith.constant 0 : index
    %get3A_0 = arith.constant 0 : index
    %get3A_1 = vector.load %arg1[%get3A, %get3A_0] : memref<4096x64xf32, #tpu.memory_space<vmem>>, vector<4096x64xf32>
    %get3A_2 = arith.constant 0 : index
    %get3A_3 = arith.constant 0 : index
    %get3A_4 = vector.load %arg2[%get3A_2, %get3A_3] : memref<64x4096xf32, #tpu.memory_space<vmem>>, vector<64x4096xf32>
    %get3A_5 = arith.constant 0 : index
    %get3A_6 = vector.load %arg0[%get3A_5] : memref<64xi32, #tpu.memory_space<vmem>>, vector<64xi32>
    %reshape3A = vector.shape_cast %get3A_6 : vector<64xi32> to vector<1x64xi32>
    %iota3A = tpu.iota {dimensions = array<i32: 0>} : vector<4096x64xi32>
    %eq3A = vector.broadcast %reshape3A : vector<1x64xi32> to vector<4096x64xi32>
    %eq3A_7 = arith.cmpi eq, %iota3A, %eq3A : vector<4096x64xi32>
    %jit3A = arith.constant 1.000000e+00 : f32
    %jit3A_8 = arith.constant 0.000000e+00 : f32
    %broadcast_in_dim3A = vector.broadcast %jit3A : f32 to vector<4096x64xf32>
    %broadcast_in_dim3A_9 = vector.broadcast %jit3A_8 : f32 to vector<4096x64xf32>
    %select_n3A = arith.select %eq3A_7, %broadcast_in_dim3A, %broadcast_in_dim3A_9 : vector<4096x64xi1>, vector<4096x64xf32>
    %dot_general3A = arith.constant dense<0.000000e+00> : vector<64x64xf32>
    %dot_general3A_10 = tpu.matmul %select_n3A, %get3A_1, %dot_general3A {dimension_numbers = #tpu.dot_dimension_numbers<[0], [0], [1], [1], [0, 1, 1, 1], [], []>, transpose_lhs_hint = false} : vector<4096x64xf32>, vector<4096x64xf32>, vector<64x64xf32> -> vector<64x64xf32>
    %transpose3A = tpu.transpose %reshape3A, [1, 0] : vector<1x64xi32> -> vector<64x1xi32>
    %broadcast_in_dim3A_11 = arith.constant 1.000000e+00 : f32
    %broadcast_in_dim3A_12 = vector.broadcast %broadcast_in_dim3A_11 : f32 to vector<8x64xf32>
    %mul3A = arith.mulf %get3A_1, %get3A_1 : vector<4096x64xf32>
    %dot_general3A_13 = arith.constant dense<0.000000e+00> : vector<8x4096xf32>
    %dot_general3A_14 = tpu.matmul %broadcast_in_dim3A_12, %mul3A, %dot_general3A_13 {dimension_numbers = #tpu.dot_dimension_numbers<[1], [1], [0], [0], [0, 0, 1, 0], [], []>, transpose_lhs_hint = false} : vector<8x64xf32>, vector<4096x64xf32>, vector<8x4096xf32> -> vector<8x4096xf32>
    %slice3A = vector.extract_strided_slice %dot_general3A_14 {offsets = [0, 0], sizes = [1, 4096], strides = [1, 1]} : vector<8x4096xf32> to vector<1x4096xf32>
    %mul3A_15 = arith.mulf %dot_general3A_10, %dot_general3A_10 : vector<64x64xf32>
    %reduce_sum3A = arith.constant dense<0.000000e+00> : vector<64xf32>
    %reduce_sum3A_16 = vector.multi_reduction <add>, %mul3A_15, %reduce_sum3A [1] : vector<64x64xf32> to vector<64xf32>
    %broadcast_in_dim3A_17 = vector.shape_cast %reduce_sum3A_16 : vector<64xf32> to vector<64x1xf32>
    %dot_general3A_18 = arith.constant dense<0.000000e+00> : vector<64x4096xf32>
    %dot_general3A_19 = tpu.matmul %dot_general3A_10, %get3A_1, %dot_general3A_18 {dimension_numbers = #tpu.dot_dimension_numbers<[1], [1], [0], [0], [0, 0, 1, 0], [], []>, transpose_lhs_hint = false} : vector<64x64xf32>, vector<4096x64xf32>, vector<64x4096xf32> -> vector<64x4096xf32>
    %add3A = vector.broadcast %broadcast_in_dim3A_17 : vector<64x1xf32> to vector<64x4096xf32>
    %add3A_20 = vector.broadcast %slice3A : vector<1x4096xf32> to vector<64x4096xf32>
    %add3A_21 = arith.addf %add3A, %add3A_20 : vector<64x4096xf32>
    %mul3A_22 = arith.constant 2.000000e+00 : f32
    %mul3A_23 = vector.broadcast %mul3A_22 : f32 to vector<64x4096xf32>
    %mul3A_24 = arith.mulf %mul3A_23, %dot_general3A_19 : vector<64x4096xf32>
    %sub3A = arith.subf %add3A_21, %mul3A_24 : vector<64x4096xf32>
    %mul3A_25 = arith.mulf %get3A_4, %get3A_4 : vector<64x4096xf32>
    %div3A = arith.divf %sub3A, %mul3A_25 : vector<64x4096xf32>
    %sub3A_26 = arith.constant 1.000000e+00 : f32
    %sub3A_27 = vector.broadcast %sub3A_26 : f32 to vector<64x4096xf32>
    %sub3A_28 = arith.subf %div3A, %sub3A_27 : vector<64x4096xf32>
    %abs3A = math.absf %sub3A_28 : vector<64x4096xf32>
    %iota3A_29 = tpu.iota {dimensions = array<i32: 1>} : vector<64x4096xi32>
    %gt3A = vector.broadcast %transpose3A : vector<64x1xi32> to vector<64x4096xi32>
    %gt3A_30 = arith.cmpi sgt, %iota3A_29, %gt3A : vector<64x4096xi32>
    %jit3A_31 = arith.constant 0.000000e+00 : f32
    %broadcast_in_dim3A_32 = vector.broadcast %jit3A_31 : f32 to vector<64x4096xf32>
    %select_n3A_33 = arith.select %gt3A_30, %abs3A, %broadcast_in_dim3A_32 : vector<64x4096xi1>, vector<64x4096xf32>
    %reduce_sum3A_34 = vector.shape_cast %select_n3A_33 : vector<64x4096xf32> to vector<1x64x4096xf32>
    %reduce_sum3A_35 = arith.constant dense<0.000000e+00> : vector<1xf32>
    %reduce_sum3A_36 = vector.multi_reduction <add>, %reduce_sum3A_34, %reduce_sum3A_35 [1, 2] : vector<1x64x4096xf32> to vector<1xf32>
    %reduce_sum3A_37 = vector.shape_cast %reduce_sum3A_36 : vector<1xf32> to vector<1x1x1xf32>
    %reduce_sum3A_38 = vector.extract %reduce_sum3A_37[0, 0, 0] : f32 from vector<1x1x1xf32>
    %swap3A = arith.constant 0 : index
    %swap3A_39 = arith.constant 0 : index
    %swap3A_40 = memref.load %arg3[%swap3A, %swap3A_39] : memref<1x1xf32, #tpu.memory_space<smem>>
    memref.store %reduce_sum3A_38, %arg3[%swap3A, %swap3A_39] : memref<1x1xf32, #tpu.memory_space<smem>>
    return
  }
}

</mosaic_0001>

<sc_bundles>
// kernel: kernel.4.cloned.1.call-start
scs
__scs_entry_jumppad:
0x0: {  	(pc) =	sbr.rel $0x88, $3  }
0x1: {  	(tag) =	ssettag $0x0;
	lr =	simm.s32 $0x1  }
0x2: {  	[smem:$0x3F9E] =	sst lr;
	_ =	strace $0xD0000000  }
0x3: {  	_ = 	snop  }
0x4: {  	_ = 	snop  }
0x5: {  	_ = 	snop  }
0x6: {  	_ = 	snop  }
0x7: {  	_ = 	snop  }
__scs_overlays_trampoline_lowered:
0x8: {  	[smem:$0x3FAD] =	sst s0  }
0x9: {  	[smem:$0x3FAE] =	sst s1  }
0xa: {  	[smem:$0x3FAF] =	sst s2  }
0xb: {  	[smem:$0x3FB0] =	sst s3  }
0xc: {  	[smem:$0x3FB1] =	sst s4  }
0xd: {  	[smem:$0x3FB2] =	sst s5  }
0xe: {  	[smem:$0x3FB3] =	sst s6  }
0xf: {  	[smem:$0x3FB4] =	sst s7  }
0x10: {  	[smem:$0x3FB5] =	sst s8  }
0x11: {  	[smem:$0x3FB6] =	sst s9;
	s0 =	simm.s32 @!p0 $0x0  }
0x12: {  	s1 =	sld [smem:$0x3F9C];
	s0 =	simm.s32 @p0 $0x1  }
0x13: {  	[smem:$0x3FB7] =	sst s0;
	s0 =	simm.s32 @!p1 $0x0  }
0x14: {  	s2 =	sld [smem:$0x3F9B];
	s0 =	simm.s32 @p1 $0x1  }
0x15: {  	[smem:$0x3FB8] =	sst s0;
	s0 =	simm.s32 @!p2 $0x0  }
0x16: {  	s3 =	sld [smem:$0x3FDB];
	s0 =	simm.s32 @p2 $0x1  }
0x17: {  	s4 =	simm.s32 $0x1BF5;
	[smem:$0x3FBA] =	sst s0  }
0x18: {  	s0 =	sld [smem:$0x3F9D];
	_ =	swait.ge [sflag:s4], $0x0  }
0x19: {  	s7 =	sld [smem:$0x3F9E]  }
0x1a: {  	s8 =	sadd.s32 $0xFFFFE003, lr  }
0x1b: {  	s9 =	sadd.s32 $0xFFFFFEF7, lr;
	s5 =	simm.s32 $0xFFFFFFFF;
	p2 =	slt.u32 s8, $0xFFFFF086  }
0x1c: {  	p1 =	slt.u32 s9, $0xF7A;
	s5 =	simm.s32 @!p2 $0x0  }
0x1d: {  	s5 =	simm.s32 @p1 $0x1;
	p0 =	seq.s32 s7, s2  }
0x1e: {  	s7 =	smul.u32 @!p0 $0xF7A, s2;
	p2 =	seq.s32 @!p0 s5, $0x0  }
0x1f: {  	s9 =	smul.u32 $0xF7A, s1;
	s8 =	simm.s32 @!p0 $0x1BF5;
	p2 =	por !p2, p0  }
0x20: {  	[sflag:s8] =	ssyncset.s32 @!p0 $0xFFFFF086;
	s6 =	sadd.s32 @!p0 s3, s7;
	s7 =	simm.s32 @!p0 $0x108  }
0x21: {  	s3 =	sadd.s32 s3, s9;
	s6 =	sadd.s32 @!p0 $0x88, s6;
	s7 =	simm.s32 @p2 $0x1082  }
0x22: {  	[simem:s7], [sflag:s8] =	dma.local @!p0 [hbm:s6], $0xF7A  }
0x23: {  	s9 =	sor.u32 $0xD0000000, s2;
	s6 =	simm.s32 $0x108;
	_ =	swait.ge @!p0 [sflag:s8], $0x0  }
0x24: {  	s3 =	sadd.s32 $0x88, s3;
	s6 =	simm.s32 @!p1 $0x1082;
	[sflag:s4] =	ssyncset.s32 $0xFFFFF086  }
0x25: {  	[simem:s6], [sflag:s4] =	dma.local [hbm:s3], $0xF7A  }
0x26: {  	[smem:$0x3F9E] =	sst s1;
	(tag) =	ssettag s2;
	_ =	strace s9  }
0x27: {  	s1 =	sld [smem:$0x3FAE]  }
0x28: {  	s2 =	sld [smem:$0x3FAF]  }
0x29: {  	s4 =	sld [smem:$0x3FB1]  }
0x2a: {  	p0 =	seq.s32 s5, $0x0;
	s5 =	sld [smem:$0x3FB2]  }
0x2b: {  	s6 =	sld [smem:$0x3FB3]  }
0x2c: {  	s7 =	sld [smem:$0x3FB4]  }
0x2d: {  	s3 =	simm.s32 $0x108;
	s8 =	sld [smem:$0x3FB5]  }
0x2e: {  	s3 =	simm.s32 @!p0 $0x1082;
	s9 =	sld [smem:$0x3FB6]  }
0x2f: {  	lr =	sadd.s32 s0, s3;
	s0 =	sld [smem:$0x3FAD]  }
0x30: {  	s3 =	sld [smem:$0x3FB0]  }
0x31: {  	[smem:$0x3FB9] =	sst s10  }
0x32: {  	s10 =	sld [smem:$0x3FB7];
	_ =	sdelay $0x3  }
0x33: {  	p0 =	seq.s32 s10, $0x1;
	s10 =	sld [smem:$0x3FB9];
	_ =	sdelay $0x3  }
0x34: {  	[smem:$0x3FB9] =	sst s10  }
0x35: {  	s10 =	sld [smem:$0x3FB8];
	_ =	sdelay $0x3  }
0x36: {  	p1 =	seq.s32 s10, $0x1;
	s10 =	sld [smem:$0x3FB9];
	_ =	sdelay $0x3  }
0x37: {  	[smem:$0x3FB9] =	sst s10  }
0x38: {  	s10 =	sld [smem:$0x3FBA]  }
0x39: {  	_ = 	snop;
	(pc) =	sbr.ind lr, $3  }
0x3a: {  	_ = 	snop  }
0x3b: {  	_ = 	snop  }
0x3c: {  	p2 =	seq.s32 s10, $0x1;
	s10 =	sld [smem:$0x3FB9]  }
0x3d: {  	_ =	shalt  }
0x3e: {  	_ =	shalt  }
0x3f: {  	_ =	shalt  }
0x40: {  	_ =	shalt  }
0x41: {  	_ =	shalt  }
0x42: {  	_ =	shalt  }
0x43: {  	_ =	shalt  }
0x44: {  	_ =	shalt  }
0x45: {  	_ =	shalt  }
0x46: {  	_ =	shalt  }
0x47: {  	_ =	shalt  }
0x48: {  	_ =	shalt  }
0x49: {  	_ =	shalt  }
0x4a: {  	_ =	shalt  }
0x4b: {  	_ =	shalt  }
0x4c: {  	_ =	shalt  }
0x4d: {  	_ =	shalt  }
0x4e: {  	_ =	shalt  }
0x4f: {  	_ =	shalt  }
0x50: {  	_ =	shalt  }
0x51: {  	_ =	shalt  }
0x52: {  	_ =	shalt  }
0x53: {  	_ =	shalt  }
0x54: {  	_ =	shalt  }
0x55: {  	_ =	shalt  }
0x56: {  	_ =	shalt  }
0x57: {  	_ =	shalt  }
0x58: {  	_ =	shalt  }
0x59: {  	_ =	shalt  }
0x5a: {  	_ =	shalt  }
0x5b: {  	_ =	shalt  }
0x5c: {  	_ =	shalt  }
0x5d: {  	_ =	shalt  }
0x5e: {  	_ =	shalt  }
0x5f: {  	_ =	shalt  }
0x60: {  	_ =	shalt  }
0x61: {  	_ =	shalt  }
0x62: {  	_ =	shalt  }
0x63: {  	_ =	shalt  }
0x64: {  	_ =	shalt  }
0x65: {  	_ =	shalt  }
0x66: {  	_ =	shalt  }
0x67: {  	_ =	shalt  }
0x68: {  	_ =	shalt  }
0x69: {  	_ =	shalt  }
0x6a: {  	_ =	shalt  }
0x6b: {  	_ =	shalt  }
0x6c: {  	_ =	shalt  }
0x6d: {  	_ =	shalt  }
0x6e: {  	_ =	shalt  }
0x6f: {  	_ =	shalt  }
0x70: {  	_ =	shalt  }
0x71: {  	_ =	shalt  }
0x72: {  	_ =	shalt  }
0x73: {  	_ =	shalt  }
0x74: {  	_ =	shalt  }
0x75: {  	_ =	shalt  }
0x76: {  	_ =	shalt  }
0x77: {  	_ =	shalt  }
0x78: {  	_ =	shalt  }
0x79: {  	_ =	shalt  }
0x7a: {  	_ =	shalt  }
0x7b: {  	_ =	shalt  }
0x7c: {  	_ =	shalt  }
0x7d: {  	_ =	shalt  }
0x7e: {  	_ =	shalt  }
0x7f: {  	_ =	shalt  }
0x80: {  	_ =	shalt  }
0x81: {  	_ =	shalt  }
0x82: {  	_ =	shalt  }
0x83: {  	_ =	shalt  }
0x84: {  	_ =	shalt  }
0x85: {  	_ =	shalt  }
0x86: {  	_ =	shalt  }
0x87: {  	_ =	shalt  }
.Lfunc_end0:
.L_simem_size_0:
called_computation_lowered:
.L_overlay_start_0:
0x88: {  	s2 =	sld [smem:$0x3FD9]  }
0x89: {  	s3 =	sld [smem:$0x3FFE];
	_ =	sdelay $0x1  }
0x8a: {  	s1 =	srdreg.scid  }
0x8b: {  	s0 =	sand.u32 $0x1, s1  }
0x8c: {  	s17 =	sshll.u32 s0, $0xA;
	s2 =	sadd.s32 s3, s2  }
0x8d: {  	s2 =	sadd.s32 s2, s17  }
0x8e: {  	[smem:$0x3FC5] =	sst s2  }
0x8f: {  	_ = 	snop  }
0x90: {  	s2 =	sld [smem:$0x3FC7];
	(tm) =	ssettm $0x1  }
0x91: {  	s18 =	sld [smem:$0x3FFB];
	_ =	sdelay $0x3  }
0x92: {  	_ =	strace s18  }
0x93: {  	s3 =	sld [smem:$0x3FFC];
	_ =	sdelay $0x3  }
0x94: {  	_ =	strace s3  }
0x95: {  	s3 =	sld [smem:$0x3FFD];
	_ =	sdelay $0x3  }
0x96: {  	_ =	strace s3  }
0x97: {  	_ =	strace $0x8FFFFFFF  }
0x98: {  	s19 =	sld [smem:$0x3FDB];
	_ =	sdelay $0x1  }
0x99: {  	s4 =	simm.s32 $_scs_section_size  }
0x9a: {  	s5 =	simm.s32 $_size__tile_overlayer_lowered;
	s6 =	simm.s32 $_tile_overlayer_lowered  }
0x9b: {  	s22 =	simm.s32 $0x1BFF;
	s21 =	sshll.u32 s6, $0x1;
	s3 =	sadd.s32 s4, s19  }
0x9c: {  	s7 =	simm.s32 $0x0;
	s20 =	sshll.u32 s5, $0x1;
	s5 =	sadd.s32 s21, s3  }
0x9d: {  	[timem:s7], [sflag:s22] =	dma.local [hbm:s5], s20  }
0x9e: {  	_ =	swait.ge [sflag:s22], s20  }
0x9f: {  	s4 =	ssub.s32 $0x0, s20;
	[sflag:s22] =	ssyncset.done $0x0  }
0xa0: {  	[sflag:s22] =	ssyncadd.s32 s4;
	_ =	sdelay $0x1  }
0xa1: {  	s23 =	simm.s32 $0x1B8B  }
0xa2: {  	_ =	swait.ge [sflag:s23], $0x1  }
0xa3: {  	[sflag:s23] =	ssyncset.done $0x0  }
0xa4: {  	s25 =	simm.s32 $0x1B8E;
	s24 =	sld [smem:$0x3FFE];
	[sflag:s23] =	ssyncadd.s32 $0xFFFFFFFF  }
0xa5: {  	s26 =	simm.s32 $execute0_lowered;
	[smem:$0x3FD2] =	sst s25  }
0xa6: {  	s5 =	sshll.u32 s26, $0x1;
	_ =	strace $0x80000046;
	[dreg:$0x1] =	wrdreg $0xFFFFFFFF  }
0xa7: {  	s28 =	simm.s32 $_size_execute0_lowered;
	s3 =	sadd.s32 s3, s5;
	[dreg:$0x0] =	wrdreg $0x0  }
0xa8: {  	s5 =	sshll.u32 s28, $0x1;
	[dreg:$0x2] =	wrdreg s3  }
0xa9: {  	[dreg:$0x3] =	wrdreg s5  }
0xaa: {  	[dreg:$0x4] =	wrdreg $0xC0  }
0xab: {  	_ =	task [dreg:s7], $0x5FFFF  }
0xac: {  	[dreg:$0x1] =	wrdreg $0xFFFFFFFF  }
0xad: {  	[dreg:$0x0] =	wrdreg $0x60  }
0xae: {  	[dreg:$0x2] =	wrdreg s24  }
0xaf: {  	[dreg:$0x3] =	wrdreg s2  }
0xb0: {  	[dreg:$0x4] =	wrdreg $0x9  }
0xb1: {  	_ =	task.clear_ibuf [dreg:s7], $0x5FFFF;
	_ =	strace $0x90000046  }
0xb2: {  	s29 =	simm.s32 $0x9;
	_ =	strace $0x80000048  }
0xb3: {  	_ =	swait.ge [sflag:s29], $0x1  }
0xb4: {  	[sflag:s29] =	ssyncadd.s32 $0xFFFFFFFF  }
0xb5: {  	_ =	strace $0x90000048  }
0xb6: {  	_ =	sfence  }
0xb7: {  	s30 =	sld [smem:$0x0];
	_ =	sdelay $0x2  }
0xb8: {  	s31 =	sshll.u32 s1, $0xD;
	s1 =	sshrl.u32 s1, $0x2  }
0xb9: {  	s3 =	sand.u32 $0x4000, s31;
	s1 =	sadd.s32 s1, s30  }
0xba: {  	s0 =	sor.u32 s3, s0;
	s1 =	sshll.u32 s1, $0x11  }
0xbb: {  	s0 =	sor.u32 s1, s0  }
0xbc: {  	s0 =	sadd.s32 $0x8F2B, s0  }
0xbd: {  	[sflag:s0] =	ssyncadd.remote.s32 $0x1  }
0xbe: {  	_ =	sfence.sel $0xFFFF  }
0xbf: {  	[dreg:$0x0] =	wrdreg $0xFFFFFFFF;
	(pc) =	sbr.abs _section_cstart, $3  }
0xc0: {  	[dreg:$0x1] =	wrdreg $0xFFFFFFFF  }
0xc1: {  	_ =	task.clear_ibuf [dreg:s7], $0x2FFFF;
	_ =	strace $0x9FFFFFFF  }
0xc2: {  	(tm) =	ssettm $0x7FFFFFFF  }
0xc3: {  	_ =	shalt  }
tec
execute0_lowered:
.L_overlay_start_1:
0x0: {  	(tag) =	ssettag $0x1  }
0x1: {  	s1 =	srdreg.scid;
	s0 =	stileid.u32  }
0x2: {  	s6 =	rddreg [dreg:$0x0];
	s7 =	sand.u32 $0x1, s1;
	s29 =	sshll.u32 s0, $0x1  }
0x3: {  	s2 =	rddreg [dreg:$0x1];
	s11 =	sor.u32 s7, s29  }
0x4: {  	s3 =	simm.s32 $0x0;
	s1 =	rddreg [dreg:$0x2];
	s4 =	sshll.u32 s11, $0x4  }
0x5: {  	[smem:$0x7FF] =	sst s3;
	s4 =	sadd.s32 s4, s6  }
0x6: {  	_ =	strace $0x80000047;
	s5 =	sadd.s32 $0xA00, s4;
	s4 =	simm.s32 $0x2  }
0x7: {  	[tilespmem:s3], [sflag:$0x2] =	stream.linear.gather [hbm4b:s5+s3], $0x80, $0x38;
	[tilespmem:$0x2080] =	vst v63  }
0x8: {  	_ =	swait.ge [sflag:s4], $0x80  }
0x9: {  	[sflag:s4] =	ssyncset.done $0x0  }
0xa: {  	[sflag:s4] =	ssyncadd.s32 $0xFFFFFF80  }
0xb: {  	v0 =	vld.msk [tilespmem:$0x0], $0x3;
	_ =	sdelay $0x4  }
0xc: {  	v1 =	vshll.u32 v0, $0x5  }
0xd: {  	v2 =	vlaneseq.u32;
	v3 =	vand.u32 $0x7, v0;
	v1 =	vand.u32 $0xFFFFFF00, v1  }
0xe: {  	v0 =	vand.u32 $0x1, v2;
	v2 =	vshrl.u32 v2, $0x1;
	v3 =	vor.u32 v3, v1  }
0xf: {  	v1 =	vmul.u32 $0x8, v2;
	v2 =	vperm.xlane v3, v0;
	_ =	sdelay $0x1  }
0x10: {  	v2 =	vadd.s32 v1, v2;
	_ =	sdelay $0x1  }
0x11: {  	s9 =	simm.s32 $0x880;
	s8 =	sshll.u32 s0, $0xB  }
0x12: {  	s13 =	simm.s32 $0x1;
	s10 =	sadd.s32 $0xC00, s2;
	s8 =	sand.u32 $0x7000, s8  }
0x13: {  	vm0 =	vmmov $0xffff;
	s14 =	ssub.s32 $0x2, s7;
	s15 =	sadd.s32 s8, s6;
	s6 =	simm.s32 $0x80  }
0x14: {  	[tilespmem:s6], [sflag:$0x1] =	stream.indirect_vreg.gather [hbm4b:s2+s3], $0x80, v2, vm0, $0xb8;
	[tilespmem:$0x2080] =	vst v63  }
0x15: {  	s7 =	sadd.s32 $0x400, s2;
	s16 =	sshrl.u32 s14, $0x1;
	s8 =	sadd.s32 $0x800, s2  }
0x16: {  	[tilespmem:s9], [sflag:$0x1] =	stream.indirect_vreg.gather [hbm4b:s7+s3], $0x80, v2, vm0, $0xb8;
	[tilespmem:$0x2080] =	vst v63  }
0x17: {  	s12 =	sshll.u32 s11, $0x5;
	s11 =	simm.s32 $0x1080;
	s16 =	ssub.s32 s14, s16  }
0x18: {  	[tilespmem:s11], [sflag:$0x1] =	stream.indirect_vreg.gather [hbm4b:s8+s3], $0x80, v2, vm0, $0xb8;
	[tilespmem:$0x2080] =	vst v63  }
0x19: {  	s17 =	sand.u32 $0x60, s12;
	s12 =	simm.s32 $0x1880;
	s31 =	smax.u32 s16, $0x1  }
0x1a: {  	[tilespmem:s12], [sflag:$0x1] =	stream.indirect_vreg.gather [hbm4b:s10+s3], $0x80, v2, vm0, $0xb8;
	[tilespmem:$0x2080] =	vst v63  }
0x1b: {  	s30 =	sadd.s32 s17, s15;
	p0 =	sne.s32 s31, $0x1;
	_ =	swait.ge [sflag:s13], $0x2000  }
.Ltmp0:
0x1c: {  	s15 =	simm.s32 $0x100;
	[sflag:s13] =	ssyncset.done $0x0;
	(pc) =	sbr.rel @!p0 .LBB2_2-.Ltmp0, $4  }
0x1d: {  	s16 =	simm.s32 $0x400;
	s14 =	sadd.s32 $0xC00, s30;
	[sflag:s13] =	ssyncadd.s32 $0xFFFFE000  }
0x1e: {  	[hbm4b:s14+s15] =	stream.strided.scatter [tilespmem:s6], [sflag:$0x2], $0x2000, s16, s15, $0x38;
	[tilespmem:$0x2080] =	vst v63  }
0x1f: {  	_ =	swait.ge [sflag:s4], $0x2000  }
0x20: {  	s17 =	sadd.s32 $0xFFFFFFFF, s31;
	[sflag:s4] =	ssyncset.done $0x0  }
.LBB2_1:
0x21: {  	p0 =	sne.s32 s17, $0x1;
	s17 =	sadd.s32 $0xFFFFFFFF, s17;
	[sflag:s4] =	ssyncadd.s32 $0xFFFFE000  }
0x22: {  	[tilespmem:s3], [sflag:$0x2] =	stream.linear.gather [hbm4b:s5+s3], $0x80, $0x38;
	[tilespmem:$0x2080] =	vst v63  }
0x23: {  	_ =	swait.ge [sflag:s4], $0x80  }
0x24: {  	[sflag:s4] =	ssyncset.done $0x0  }
0x25: {  	[sflag:s4] =	ssyncadd.s32 $0xFFFFFF80  }
0x26: {  	v2 =	vld.msk [tilespmem:$0x0], $0x3;
	_ =	sdelay $0x4  }
0x27: {  	v3 =	vshll.u32 v2, $0x5  }
0x28: {  	v2 =	vand.u32 $0x7, v2;
	v3 =	vand.u32 $0xFFFFFF00, v3  }
0x29: {  	v2 =	vor.u32 v2, v3  }
0x2a: {  	v2 =	vperm.xlane v2, v0;
	_ =	sdelay $0x1  }
0x2b: {  	v2 =	vadd.s32 v1, v2;
	_ =	sdelay $0x4  }
0x2c: {  	[tilespmem:s6], [sflag:$0x1] =	stream.indirect_vreg.gather [hbm4b:s2+s3], $0x80, v2, vm0, $0xb8;
	[tilespmem:$0x2080] =	vst v63  }
0x2d: {  	_ = 	snop  }
0x2e: {  	[tilespmem:s9], [sflag:$0x1] =	stream.indirect_vreg.gather [hbm4b:s7+s3], $0x80, v2, vm0, $0xb8;
	[tilespmem:$0x2080] =	vst v63  }
0x2f: {  	_ = 	snop  }
0x30: {  	[tilespmem:s11], [sflag:$0x1] =	stream.indirect_vreg.gather [hbm4b:s8+s3], $0x80, v2, vm0, $0xb8;
	[tilespmem:$0x2080] =	vst v63  }
0x31: {  	_ = 	snop  }
0x32: {  	[tilespmem:s12], [sflag:$0x1] =	stream.indirect_vreg.gather [hbm4b:s10+s3], $0x80, v2, vm0, $0xb8;
	[tilespmem:$0x2080] =	vst v63  }
0x33: {  	_ =	swait.ge [sflag:s13], $0x2000  }
.Ltmp1:
0x34: {  	[sflag:s13] =	ssyncset.done $0x0;
	(pc) =	sbr.rel @p0 .LBB2_1-.Ltmp1, $4  }
0x35: {  	[sflag:s13] =	ssyncadd.s32 $0xFFFFE000  }
0x36: {  	[hbm4b:s14+s15] =	stream.strided.scatter [tilespmem:s6], [sflag:$0x2], $0x2000, s16, s15, $0x38;
	[tilespmem:$0x2080] =	vst v63  }
0x37: {  	_ =	swait.ge [sflag:s4], $0x2000  }
0x38: {  	[sflag:s4] =	ssyncset.done $0x0  }
.LBB2_2:
0x39: {  	[sflag:s4] =	ssyncadd.s32 $0xFFFFE000  }
0x3a: {  	_ =	sfence.sel $0x180000  }
0x3b: {  	[bflag:$0x0] =	sbarrier.arrive $0xFFFF  }
0x3c: {  	p0 =	sne.s32 s0, $0x0;
	_ =	strace $0x90000047  }
0x3d: {  	s0 =	sadd.s32 @!p0 $0x100000, s1;
	[bflag:$0x2] =	sbarrier.arrive $0xFFFF  }
0x3e: {  	[sflag:s0] =	ssyncadd.tile.s32 @!p0 $0x1;
	_ =	shalt  }
.Lfunc_end2:
_tile_overlayer_lowered:
.L_overlay_start_2:
0x3f: {  	(tag) =	ssettag $0x2  }
0x40: {  	s0 =	rddreg [dreg:$0x0];
	s2 =	stileid.u32  }
0x41: {  	s1 =	rddreg [dreg:$0x1];
	p0 =	sne.s32 s2, $0x0  }
0x42: {  	s3 =	rddreg [dreg:$0x2];
	[bflag:$0x3] =	sbarrier.arrive $0xFFFF;
	s2 =	simm.s32 @!p0 $0x1C02  }
0x43: {  	[timem:s3], [sflag:s2] =	dma.local @!p0 [hbm:s0], s1  }
0x44: {  	s0 =	simm.s32 @!p0 $0x2  }
0x45: {  	_ =	swait.ge @!p0 [sflag:s0], s1  }
0x46: {  	s1 =	ssub.s32 @!p0 $0x0, s1;
	[sflag:s0] =	ssyncset.done @!p0 $0x0  }
0x47: {  	[sflag:s0] =	ssyncadd.s32 @!p0 s1  }
0x48: {  	[bflag:$0x3] =	sbarrier.arrive $0xFFFF  }
0x49: {  	_ =	shalt  }

</sc_bundles>
